<compile_context>
chip_gen: v7x
topology: tpu7x:2x2x1
jax: 0.10.2.dev20260603
libtpu: 0.0.44.dev20260713+nightly
codegen_flags: <defaults>
</compile_context>

<pallas_src>
import functools

import jax
import jax.numpy as jnp
from jax import lax
from jax.experimental import pallas as pl
from jax.experimental.pallas import tpu as pltpu
from jax.experimental.pallas import tpu_sc as plsc

_BETA = 1.0 / 9.0
_NEG_POS_RATIO = 3
_ROWS = 2560
_LANES = 128
_GRID = 8
_RBLK = _ROWS // _GRID

_NSUB = 32
_PROWS = 4 * _ROWS
_RSUB = _PROWS // _NSUB
_ESUB = _RSUB * _LANES
_LSUB = _ESUB // 4


def _conf_kernel(conf_ref, lab_ref, out_ref, lmask_ref,
                 np_ref, ce_ref, sn_ref):
    i = pl.program_id(0)

    @pl.when(i == 0)
    def _init():
        np_ref[0] = 0
        ce_ref[0] = 0.0
        sn_ref[0] = 0.0

    c0 = conf_ref[0::2, :]
    c1 = conf_ref[1::2, :]
    x = c1 - c0
    sp = jnp.maximum(x, 0.0) + jnp.log1p(jnp.exp(-jnp.abs(x)))
    pos = lab_ref[:] > 0

    lmask_ref[pl.ds(i * _RBLK, _RBLK), :] = jnp.where(pos, -1.0, sp)

    np_ref[0] += jnp.sum(pos.astype(jnp.int32))
    ce_ref[0] += jnp.sum(jnp.where(pos, sp - x, 0.0))
    sn_ref[0] += jnp.sum(jnp.where(pos, 0.0, sp))

    @pl.when(i == _GRID - 1)
    def _finalize():
        num_pos = np_ref[0]
        n_total = _ROWS * _LANES
        num_neg = n_total - num_pos
        k_eff = jnp.minimum(num_pos * _NEG_POS_RATIO, num_neg)

        def _emit(s_neg):
            n_sel = (num_pos + k_eff).astype(jnp.float32)
            loss_cls = jnp.clip(
                (ce_ref[0] + s_neg) / jnp.maximum(n_sel, 1.0), 0.0, 5.0)
            row = lax.broadcasted_iota(jnp.int32, (8, 128), 0)
            col = lax.broadcasted_iota(jnp.int32, (8, 128), 1)
            out_ref[:] = (
                jnp.where((row == 0) & (col == 0), loss_cls, 0.0)
                + jnp.where((row == 0) & (col == 1),
                            num_pos.astype(jnp.float32), 0.0))

        @pl.when(k_eff >= num_neg)
        def _all_selected():
            _emit(sn_ref[0])

        @pl.when(k_eff < num_neg)
        def _search():
            def search_body(it, base):
                j = 28 - 2 * it
                b_lo = lax.shift_left(jnp.int32(1), j)
                ca = base + b_lo
                cb = base + 2 * b_lo
                cc = base + 3 * b_lo
                keys = lax.bitcast_convert_type(lmask_ref[:], jnp.int32)
                na = jnp.sum((keys >= ca).astype(jnp.int32))
                nb = jnp.sum((keys >= cb).astype(jnp.int32))
                nc = jnp.sum((keys >= cc).astype(jnp.int32))
                return jnp.where(
                    nc >= k_eff, cc,
                    jnp.where(nb >= k_eff, cb,
                              jnp.where(na >= k_eff, ca, base)))

            keys0 = lax.bitcast_convert_type(lmask_ref[:], jnp.int32)
            top = jnp.int32(1 << 30)
            n_top = jnp.sum((keys0 >= top).astype(jnp.int32))
            base0 = jnp.where(n_top >= k_eff, top, jnp.int32(0))
            base = lax.fori_loop(0, 15, search_body, base0)

            keys = lax.bitcast_convert_type(lmask_ref[:], jnp.int32)
            gt_m = keys > base
            count_gt = jnp.sum(gt_m.astype(jnp.int32))
            s_gt = jnp.sum(jnp.where(gt_m, lmask_ref[:], 0.0))
            l_thr = lax.bitcast_convert_type(base, jnp.float32)
            remaining = (k_eff - count_gt).astype(jnp.float32)
            _emit(jnp.where(k_eff == 0, 0.0, s_gt + remaining * l_thr))


def _sc_sl1_kernel(pred_hbm, gt_hbm, lab_hbm, out_hbm, pv, gv, lv, accv):
    wid = lax.axis_index("s") * 2 + lax.axis_index("c")
    pltpu.sync_copy(pred_hbm.at[pl.ds(wid * _ESUB, _ESUB)], pv)
    pltpu.sync_copy(gt_hbm.at[pl.ds(wid * _ESUB, _ESUB)], gv)
    pltpu.sync_copy(lab_hbm.at[pl.ds(wid * _LSUB, _LSUB)], lv)

    def body(i, acc):
        rr = i // 8
        j = i - 8 * rr
        r = 2 * rr + 1
        off = r * _LANES + j * 16
        p = pv[pl.ds(off, 16)]
        g = gv[pl.ds(off, 16)]
        d = jnp.abs(p - g)
        s = jnp.where(d < _BETA, 0.5 / _BETA * d * d, d - 0.5 * _BETA)
        lab = lv[pl.ds((r // 4) * _LANES + j * 16, 16)]
        return acc + jnp.where(lab > 0, s, 0.0)

    acc = lax.fori_loop(0, (_RSUB // 2) * 8, body,
                        jnp.zeros((16,), jnp.float32))
    accv[...] = acc
    pltpu.sync_copy(accv, out_hbm.at[wid])


_sc_sl1 = functools.partial(
    pl.kernel,
    mesh=plsc.VectorSubcoreMesh(core_axis_name="c", subcore_axis_name="s"),
    out_type=jax.ShapeDtypeStruct((_NSUB, 16), jnp.float32),
    scratch_types=[
        pltpu.VMEM((_ESUB,), jnp.float32),
        pltpu.VMEM((_ESUB,), jnp.float32),
        pltpu.VMEM((_LSUB,), jnp.int32),
        pltpu.VMEM((16,), jnp.float32),
    ],
)(_sc_sl1_kernel)


@jax.jit
def kernel(confidence, predicted_locations, labels, gt_locations):
    B, A = labels.shape
    nt = A // _LANES
    conf_v = confidence.reshape(B, nt, _LANES, 2).transpose(0, 1, 3, 2) \
        .reshape(2 * _ROWS, _LANES)
    pred_v = predicted_locations.reshape(B, nt, _LANES, 4) \
        .transpose(0, 1, 3, 2).reshape(-1)
    gt_v = gt_locations.reshape(B, nt, _LANES, 4) \
        .transpose(0, 1, 3, 2).reshape(-1)
    lab2 = labels.reshape(_ROWS, _LANES)
    lab1 = labels.reshape(-1)

    sl_parts = _sc_sl1(pred_v, gt_v, lab1)

    conf_out = pl.pallas_call(
        _conf_kernel,
        grid=(_GRID,),
        in_specs=[
            pl.BlockSpec((2 * _RBLK, _LANES), lambda i: (i, 0)),
            pl.BlockSpec((_RBLK, _LANES), lambda i: (i, 0)),
        ],
        out_specs=pl.BlockSpec((8, 128), lambda i: (0, 0)),
        out_shape=jax.ShapeDtypeStruct((8, 128), jnp.float32),
        scratch_shapes=[
            pltpu.VMEM((_ROWS, _LANES), jnp.float32),
            pltpu.SMEM((1,), jnp.int32),
            pltpu.SMEM((1,), jnp.float32),
            pltpu.SMEM((1,), jnp.float32),
        ],
    )(conf_v, lab2)

    loss_cls = conf_out[0, 0]
    num_pos = conf_out[0, 1]
    s_sl1 = jnp.sum(sl_parts)
    loss_ver = jnp.clip(s_sl1 / jnp.maximum(2.0 * num_pos, 1.0), 0.0, 5.0)
    loss_total = loss_ver + loss_cls
    loss_refine = jnp.zeros((), jnp.float32)
    return (loss_total, loss_cls, loss_ver, loss_refine)

# --- scband reference (transcript-rebuilt; emitter-appended) ---
"""Pipeline reference for scband-ctpnloss-3942779978218 (READ-ONLY COPY).

The authoritative reference and input builder live on the scoring server;
editing this copy changes nothing except your own understanding.
"""

import jax, jax.numpy as jnp
import numpy as np

NEG_POS_RATIO = 3
BETA = 1.0 / 9.0


def setup_inputs(seed: int = 0):
    key = jax.random.key(seed)
    k1, k2, k3, k4 = jax.random.split(key, 4)
    B, A = 8, 40960
    return {
        "confidence": jax.random.normal(k1, (B, A, 2), dtype=jnp.float32),
        "predicted_locations": jax.random.normal(k2, (B, A, 4), dtype=jnp.float32),
        "labels": jax.random.randint(k3, (B, A), 0, 2, dtype=jnp.int32),
        "gt_locations": jax.random.normal(k4, (B, A, 4), dtype=jnp.float32),
    }


def _smooth_l1(x, t):
    d = jnp.abs(x - t)
    return jnp.where(d < BETA, 0.5 * d * d / BETA, d - 0.5 * BETA)


def _forward(confidence, predicted_locations, gt_locations, labels):
    B = confidence.shape[0]
    conf = confidence.reshape(B, -1, 2)
    pred = predicted_locations.reshape(B, -1, 4)
    lab = labels.reshape(B, -1)
    gt = gt_locations.reshape(B, -1, 4)
    # mask_1 = labels >= 0 is all-True by construction (labels in {0,1}),
    # so confidence[mask_1, :].unsqueeze(0) == flatten across batch.
    conf = conf.reshape(1, -1, 2)
    lab = lab.reshape(1, -1)
    pred = pred.reshape(-1, 4)
    gt = gt.reshape(-1, 4)
    # ---- hard negative mining (torch.no_grad) ----
    loss = -jax.nn.log_softmax(jax.lax.stop_gradient(conf), axis=2)[:, :, 0]
    pos_mask = lab > 0
    num_pos = jnp.sum(pos_mask.astype(jnp.int32), axis=1, keepdims=True)
    num_neg = num_pos * NEG_POS_RATIO
    loss = jnp.where(pos_mask, -jnp.inf, loss)
    indexes = jnp.argsort(-loss, axis=1)  # descending sort order
    orders = jnp.argsort(indexes, axis=1)
    neg_mask = orders < num_neg
    mask = (pos_mask | neg_mask).reshape(-1)
    maskf = mask.astype(jnp.float32)
    # ---- classification loss: mean CE over selected anchors ----
    conf2 = conf.reshape(-1, 2)
    labl = lab.reshape(-1)
    logp = jax.nn.log_softmax(conf2, axis=1)
    ce = -jnp.take_along_axis(logp, labl[:, None].astype(jnp.int32), axis=1)[:, 0]
    n_sel = jnp.sum(maskf)
    classification_loss = jnp.sum(ce * maskf) / jnp.maximum(n_sel, 1.0)
    loss_cls = jnp.clip(classification_loss, 0.0, 5.0)
    # ---- vertical regression: smooth L1 over positive anchors, cols 1 and 3 ----
    posf = (labl > 0).astype(jnp.float32)
    gt2 = jnp.stack([gt[:, 1], gt[:, 3]], axis=1)
    pr2 = jnp.stack([pred[:, 1], pred[:, 3]], axis=1)
    sl1 = _smooth_l1(pr2, gt2)
    n_pos_elems = jnp.sum(posf) * 2.0
    loss_ver = jnp.sum(sl1 * posf[:, None]) / jnp.maximum(n_pos_elems, 1.0)
    loss_ver = jnp.clip(loss_ver, 0.0, 5.0)
    loss_total = loss_ver + loss_cls
    loss_refine = jnp.array(0.0, dtype=jnp.float32)
    return (loss_total, loss_cls, loss_ver, loss_refine)


def reference(confidence, predicted_locations, labels, gt_locations):
    return _forward(confidence, predicted_locations, gt_locations, labels)

if __name__ == "__main__":
    import jax
    _d = setup_inputs()
    print(jax.jit(kernel)(*tuple(_d.values())))

</pallas_src>

<mosaic_0001>
#map = affine_map<(d0, d1) -> (0)>
#map1 = affine_map<(d0, d1) -> (0, 0)>
module attributes {stable_mosaic.version = 14 : i64} {
  func.func @_sc_sl1_kernel(%arg0: i32, %arg1: i32, %arg2: memref<1310720xf32, #tpu.memory_space<hbm>>, %arg3: memref<1310720xf32, #tpu.memory_space<hbm>>, %arg4: memref<327680xi32, #tpu.memory_space<hbm>>, %arg5: memref<32x16xf32, #tpu.memory_space<hbm>>, %arg6: memref<40960xf32, #tpu.memory_space<vmem>>, %arg7: memref<40960xf32, #tpu.memory_space<vmem>>, %arg8: memref<10240xi32, #tpu.memory_space<vmem>>, %arg9: memref<16xf32, #tpu.memory_space<vmem>>) attributes {dimension_semantics = [#tpu.dimension_semantics<core_parallel>, #tpu.dimension_semantics<subcore_parallel>], iteration_bounds = array<i64: 2, 16>, scalar_prefetch = 0 : i64, scratch_operands = 4 : i64, tpu.core_type = #tpu.core_type<sc_vector_subcore>, window_params = [{transform_indices = #map}, {transform_indices = #map}, {transform_indices = #map}, {transform_indices = #map1}]} {
    %mul3A = arith.constant 2 : i32
    %mul3A_0 = arith.muli %arg1, %mul3A : i32
    %add3A = arith.addi %mul3A_0, %arg0 : i32
    %mul3A_1 = arith.constant 40960 : i32
    %mul3A_2 = arith.muli %add3A, %mul3A_1 : i32
    "tpu.region"() ({
      %run_scoped3A = tpu.sem_alloc : memref<!tpu.dma_semaphore, #tpu.memory_space<semaphore_mem>>
      %dma_start3A = tpu.memref_slice %arg2[%mul3A_2] : memref<1310720xf32, #tpu.memory_space<hbm>> -> memref<40960xf32, #tpu.memory_space<hbm>>
      %dma_start3A_16 = tpu.memref_slice %arg2[%mul3A_2] : memref<1310720xf32, #tpu.memory_space<hbm>> -> memref<40960xf32, #tpu.memory_space<hbm>>
      tpu.enqueue_dma source(%dma_start3A_16 : memref<40960xf32, #tpu.memory_space<hbm>>) target(%arg6 : memref<40960xf32, #tpu.memory_space<vmem>>) target_semaphore(%run_scoped3A : memref<!tpu.dma_semaphore, #tpu.memory_space<semaphore_mem>>)
      %dma_wait3A = tpu.memref_slice %arg2[%mul3A_2] : memref<1310720xf32, #tpu.memory_space<hbm>> -> memref<40960xf32, #tpu.memory_space<hbm>>
      %dma_wait3A_17 = tpu.memref_slice %arg2[%mul3A_2] : memref<1310720xf32, #tpu.memory_space<hbm>> -> memref<40960xf32, #tpu.memory_space<hbm>>
      tpu.wait_dma2 semaphore(%run_scoped3A : memref<!tpu.dma_semaphore, #tpu.memory_space<semaphore_mem>>) src(%dma_wait3A_17 : memref<40960xf32, #tpu.memory_space<hbm>>) dst(%arg6 : memref<40960xf32, #tpu.memory_space<vmem>>)
      tpu.yield
    }) : () -> ()
    %mul3A_3 = arith.constant 40960 : i32
    %mul3A_4 = arith.muli %add3A, %mul3A_3 : i32
    "tpu.region"() ({
      %run_scoped3A = tpu.sem_alloc : memref<!tpu.dma_semaphore, #tpu.memory_space<semaphore_mem>>
      %dma_start3A = tpu.memref_slice %arg3[%mul3A_4] : memref<1310720xf32, #tpu.memory_space<hbm>> -> memref<40960xf32, #tpu.memory_space<hbm>>
      %dma_start3A_16 = tpu.memref_slice %arg3[%mul3A_4] : memref<1310720xf32, #tpu.memory_space<hbm>> -> memref<40960xf32, #tpu.memory_space<hbm>>
      tpu.enqueue_dma source(%dma_start3A_16 : memref<40960xf32, #tpu.memory_space<hbm>>) target(%arg7 : memref<40960xf32, #tpu.memory_space<vmem>>) target_semaphore(%run_scoped3A : memref<!tpu.dma_semaphore, #tpu.memory_space<semaphore_mem>>)
      %dma_wait3A = tpu.memref_slice %arg3[%mul3A_4] : memref<1310720xf32, #tpu.memory_space<hbm>> -> memref<40960xf32, #tpu.memory_space<hbm>>
      %dma_wait3A_17 = tpu.memref_slice %arg3[%mul3A_4] : memref<1310720xf32, #tpu.memory_space<hbm>> -> memref<40960xf32, #tpu.memory_space<hbm>>
      tpu.wait_dma2 semaphore(%run_scoped3A : memref<!tpu.dma_semaphore, #tpu.memory_space<semaphore_mem>>) src(%dma_wait3A_17 : memref<40960xf32, #tpu.memory_space<hbm>>) dst(%arg7 : memref<40960xf32, #tpu.memory_space<vmem>>)
      tpu.yield
    }) : () -> ()
    %mul3A_5 = arith.constant 10240 : i32
    %mul3A_6 = arith.muli %add3A, %mul3A_5 : i32
    "tpu.region"() ({
      %run_scoped3A = tpu.sem_alloc : memref<!tpu.dma_semaphore, #tpu.memory_space<semaphore_mem>>
      %dma_start3A = tpu.memref_slice %arg4[%mul3A_6] : memref<327680xi32, #tpu.memory_space<hbm>> -> memref<10240xi32, #tpu.memory_space<hbm>>
      %dma_start3A_16 = tpu.memref_slice %arg4[%mul3A_6] : memref<327680xi32, #tpu.memory_space<hbm>> -> memref<10240xi32, #tpu.memory_space<hbm>>
      tpu.enqueue_dma source(%dma_start3A_16 : memref<10240xi32, #tpu.memory_space<hbm>>) target(%arg8 : memref<10240xi32, #tpu.memory_space<vmem>>) target_semaphore(%run_scoped3A : memref<!tpu.dma_semaphore, #tpu.memory_space<semaphore_mem>>)
      %dma_wait3A = tpu.memref_slice %arg4[%mul3A_6] : memref<327680xi32, #tpu.memory_space<hbm>> -> memref<10240xi32, #tpu.memory_space<hbm>>
      %dma_wait3A_17 = tpu.memref_slice %arg4[%mul3A_6] : memref<327680xi32, #tpu.memory_space<hbm>> -> memref<10240xi32, #tpu.memory_space<hbm>>
      tpu.wait_dma2 semaphore(%run_scoped3A : memref<!tpu.dma_semaphore, #tpu.memory_space<semaphore_mem>>) src(%dma_wait3A_17 : memref<10240xi32, #tpu.memory_space<hbm>>) dst(%arg8 : memref<10240xi32, #tpu.memory_space<vmem>>)
      tpu.yield
    }) : () -> ()
    %broadcast_in_dim3A = arith.constant 0.000000e+00 : f32
    %broadcast_in_dim3A_7 = vector.broadcast %broadcast_in_dim3A : f32 to vector<16xf32>
    %scan3A = arith.constant 0 : i32
    %scan3A_8 = arith.constant 1280 : i32
    %scan3A_9 = arith.addi %scan3A, %scan3A_8 : i32
    %scan3A_10 = arith.constant 1 : i32
    %scan3A_11 = scf.for %scan3A_16 = %scan3A to %scan3A_9 step %scan3A_10 iter_args(%scan3A_17 = %broadcast_in_dim3A_7) -> (vector<16xf32>)  : i32 {
      %jit3A = arith.constant 8 : i32
      %div3A = arith.divsi %scan3A_16, %jit3A : i32
      %sign3A = arith.constant 0 : i32
      %sign3A_18 = arith.cmpi sgt, %scan3A_16, %sign3A : i32
      %sign3A_19 = arith.extui %sign3A_18 : i1 to i32
      %sign3A_20 = arith.constant 0 : i32
      %sign3A_21 = arith.cmpi slt, %scan3A_16, %sign3A_20 : i32
      %sign3A_22 = arith.extui %sign3A_21 : i1 to i32
      %sign3A_23 = arith.subi %sign3A_19, %sign3A_22 : i32
      %sign3A_24 = arith.constant 0 : i32
      %sign3A_25 = arith.cmpi sgt, %jit3A, %sign3A_24 : i32
      %sign3A_26 = arith.extui %sign3A_25 : i1 to i32
      %sign3A_27 = arith.constant 0 : i32
      %sign3A_28 = arith.cmpi slt, %jit3A, %sign3A_27 : i32
      %sign3A_29 = arith.extui %sign3A_28 : i1 to i32
      %sign3A_30 = arith.subi %sign3A_26, %sign3A_29 : i32
      %ne3A = arith.cmpi ne, %sign3A_23, %sign3A_30 : i32
      %rem3A = arith.remsi %scan3A_16, %jit3A : i32
      %ne3A_31 = arith.constant 0 : i32
      %ne3A_32 = arith.cmpi ne, %rem3A, %ne3A_31 : i32
      %and3A = arith.andi %ne3A, %ne3A_32 : i1
      %sub3A = arith.constant 1 : i32
      %sub3A_33 = arith.subi %div3A, %sub3A : i32
      %select_n3A = arith.select %and3A, %sub3A_33, %div3A : i32
      %mul3A_34 = arith.constant 8 : i32
      %mul3A_35 = arith.muli %mul3A_34, %select_n3A : i32
      %sub3A_36 = arith.subi %scan3A_16, %mul3A_35 : i32
      %mul3A_37 = arith.constant 2 : i32
      %mul3A_38 = arith.muli %mul3A_37, %select_n3A : i32
      %add3A_39 = arith.constant 1 : i32
      %add3A_40 = arith.addi %mul3A_38, %add3A_39 : i32
      %mul3A_41 = arith.constant 128 : i32
      %mul3A_42 = arith.muli %add3A_40, %mul3A_41 : i32
      %mul3A_43 = arith.constant 16 : i32
      %mul3A_44 = arith.muli %sub3A_36, %mul3A_43 : i32
      %add3A_45 = arith.addi %mul3A_42, %mul3A_44 : i32
      %get3A = arith.index_cast %add3A_45 : i32 to index
      %get3A_46 = tpu.vector_load %arg6[%get3A] {strides = array<i32>} : memref<40960xf32, #tpu.memory_space<vmem>>, vector<16xf32>,
      %get3A_47 = vector.shape_cast %get3A_46 : vector<16xf32> to vector<16xf32>
      %get3A_48 = arith.index_cast %add3A_45 : i32 to index
      %get3A_49 = tpu.vector_load %arg7[%get3A_48] {strides = array<i32>} : memref<40960xf32, #tpu.memory_space<vmem>>, vector<16xf32>,
      %get3A_50 = vector.shape_cast %get3A_49 : vector<16xf32> to vector<16xf32>
      %sub3A_51 = arith.subf %get3A_47, %get3A_50 : vector<16xf32>
      %abs3A = math.absf %sub3A_51 : vector<16xf32>
      %lt3A = arith.constant 0.111111112 : f32
      %lt3A_52 = vector.broadcast %lt3A : f32 to vector<16xf32>
      %lt3A_53 = arith.cmpf olt, %abs3A, %lt3A_52 : vector<16xf32>
      %mul3A_54 = arith.constant 4.500000e+00 : f32
      %mul3A_55 = vector.broadcast %mul3A_54 : f32 to vector<16xf32>
      %mul3A_56 = arith.mulf %mul3A_55, %abs3A : vector<16xf32>
      %mul3A_57 = arith.mulf %mul3A_56, %abs3A : vector<16xf32>
      %sub3A_58 = arith.constant 0.055555556 : f32
      %sub3A_59 = vector.broadcast %sub3A_58 : f32 to vector<16xf32>
      %sub3A_60 = arith.subf %abs3A, %sub3A_59 : vector<16xf32>
      %select_n3A_61 = arith.select %lt3A_53, %mul3A_57, %sub3A_60 : vector<16xi1>, vector<16xf32>
      %jit3A_62 = arith.constant 4 : i32
      %div3A_63 = arith.divsi %add3A_40, %jit3A_62 : i32
      %sign3A_64 = arith.constant 0 : i32
      %sign3A_65 = arith.cmpi sgt, %add3A_40, %sign3A_64 : i32
      %sign3A_66 = arith.extui %sign3A_65 : i1 to i32
      %sign3A_67 = arith.constant 0 : i32
      %sign3A_68 = arith.cmpi slt, %add3A_40, %sign3A_67 : i32
      %sign3A_69 = arith.extui %sign3A_68 : i1 to i32
      %sign3A_70 = arith.subi %sign3A_66, %sign3A_69 : i32
      %sign3A_71 = arith.constant 0 : i32
      %sign3A_72 = arith.cmpi sgt, %jit3A_62, %sign3A_71 : i32
      %sign3A_73 = arith.extui %sign3A_72 : i1 to i32
      %sign3A_74 = arith.constant 0 : i32
      %sign3A_75 = arith.cmpi slt, %jit3A_62, %sign3A_74 : i32
      %sign3A_76 = arith.extui %sign3A_75 : i1 to i32
      %sign3A_77 = arith.subi %sign3A_73, %sign3A_76 : i32
      %ne3A_78 = arith.cmpi ne, %sign3A_70, %sign3A_77 : i32
      %rem3A_79 = arith.remsi %add3A_40, %jit3A_62 : i32
      %ne3A_80 = arith.constant 0 : i32
      %ne3A_81 = arith.cmpi ne, %rem3A_79, %ne3A_80 : i32
      %and3A_82 = arith.andi %ne3A_78, %ne3A_81 : i1
      %sub3A_83 = arith.constant 1 : i32
      %sub3A_84 = arith.subi %div3A_63, %sub3A_83 : i32
      %select_n3A_85 = arith.select %and3A_82, %sub3A_84, %div3A_63 : i32
      %mul3A_86 = arith.constant 128 : i32
      %mul3A_87 = arith.muli %select_n3A_85, %mul3A_86 : i32
      %mul3A_88 = arith.constant 16 : i32
      %mul3A_89 = arith.muli %sub3A_36, %mul3A_88 : i32
      %add3A_90 = arith.addi %mul3A_87, %mul3A_89 : i32
      %get3A_91 = arith.index_cast %add3A_90 : i32 to index
      %get3A_92 = tpu.vector_load %arg8[%get3A_91] {strides = array<i32>} : memref<10240xi32, #tpu.memory_space<vmem>>, vector<16xi32>,
      %get3A_93 = vector.shape_cast %get3A_92 : vector<16xi32> to vector<16xi32>
      %gt3A = arith.constant 0 : i32
      %gt3A_94 = vector.broadcast %gt3A : i32 to vector<16xi32>
      %gt3A_95 = arith.cmpi sgt, %get3A_93, %gt3A_94 : vector<16xi32>
      %jit3A_96 = arith.constant 0.000000e+00 : f32
      %broadcast_in_dim3A_97 = vector.broadcast %jit3A_96 : f32 to vector<16xf32>
      %select_n3A_98 = arith.select %gt3A_95, %select_n3A_61, %broadcast_in_dim3A_97 : vector<16xi1>, vector<16xf32>
      %add3A_99 = arith.addf %scan3A_17, %select_n3A_98 : vector<16xf32>
      scf.yield %add3A_99 : vector<16xf32>
    }
    %scan3A_12 = arith.constant 1280 : i32
    %swap3A = arith.constant 0 : index
    %swap3A_13 = tpu.vector_load %arg9[%swap3A] {strides = array<i32>} : memref<16xf32, #tpu.memory_space<vmem>>, vector<16xf32>,
    %swap3A_14 = vector.shape_cast %swap3A_13 : vector<16xf32> to vector<16xf32>
    %swap3A_15 = vector.shape_cast %scan3A_11 : vector<16xf32> to vector<16xf32>
    tpu.vector_store %arg9[%swap3A], %swap3A_15 {strides = array<i32>} : memref<16xf32, #tpu.memory_space<vmem>>, vector<16xf32>,
    "tpu.region"() ({
      %run_scoped3A = tpu.sem_alloc : memref<!tpu.dma_semaphore, #tpu.memory_space<semaphore_mem>>
      %dma_start3A = arith.constant 0 : i32
      %dma_start3A_16 = tpu.memref_slice %arg5[%add3A, %dma_start3A] : memref<32x16xf32, #tpu.memory_space<hbm>> -> memref<1x16xf32, #tpu.memory_space<hbm>>
      %dma_start3A_17 = tpu.memref_squeeze %dma_start3A_16 : memref<1x16xf32, #tpu.memory_space<hbm>> -> memref<16xf32, #tpu.memory_space<hbm>>
      %dma_start3A_18 = arith.constant 0 : i32
      %dma_start3A_19 = tpu.memref_slice %arg5[%add3A, %dma_start3A_18] : memref<32x16xf32, #tpu.memory_space<hbm>> -> memref<1x16xf32, #tpu.memory_space<hbm>>
      %dma_start3A_20 = tpu.memref_squeeze %dma_start3A_19 : memref<1x16xf32, #tpu.memory_space<hbm>> -> memref<16xf32, #tpu.memory_space<hbm>>
      tpu.enqueue_dma source(%arg9 : memref<16xf32, #tpu.memory_space<vmem>>) target(%dma_start3A_20 : memref<16xf32, #tpu.memory_space<hbm>>) target_semaphore(%run_scoped3A : memref<!tpu.dma_semaphore, #tpu.memory_space<semaphore_mem>>)
      %dma_wait3A = arith.constant 0 : i32
      %dma_wait3A_21 = tpu.memref_slice %arg5[%add3A, %dma_wait3A] : memref<32x16xf32, #tpu.memory_space<hbm>> -> memref<1x16xf32, #tpu.memory_space<hbm>>
      %dma_wait3A_22 = tpu.memref_squeeze %dma_wait3A_21 : memref<1x16xf32, #tpu.memory_space<hbm>> -> memref<16xf32, #tpu.memory_space<hbm>>
      %dma_wait3A_23 = arith.constant 0 : i32
      %dma_wait3A_24 = tpu.memref_slice %arg5[%add3A, %dma_wait3A_23] : memref<32x16xf32, #tpu.memory_space<hbm>> -> memref<1x16xf32, #tpu.memory_space<hbm>>
      %dma_wait3A_25 = tpu.memref_squeeze %dma_wait3A_24 : memref<1x16xf32, #tpu.memory_space<hbm>> -> memref<16xf32, #tpu.memory_space<hbm>>
      tpu.wait_dma2 semaphore(%run_scoped3A : memref<!tpu.dma_semaphore, #tpu.memory_space<semaphore_mem>>) src(%arg9 : memref<16xf32, #tpu.memory_space<vmem>>) dst(%dma_wait3A_25 : memref<16xf32, #tpu.memory_space<hbm>>)
      tpu.yield
    }) : () -> ()
    return
  }
}

module attributes {stable_mosaic.version = 14 : i64} {
  func.func @_conf_kernel(%arg0: i32, %arg1: memref<640x128xf32, #tpu.memory_space<vmem>>, %arg2: memref<320x128xi32, #tpu.memory_space<vmem>>, %arg3: memref<8x128xf32, #tpu.memory_space<vmem>>, %arg4: memref<2560x128xf32, #tpu.memory_space<vmem>>, %arg5: memref<1xi32, #tpu.memory_space<smem>>, %arg6: memref<1xf32, #tpu.memory_space<smem>>, %arg7: memref<1xf32, #tpu.memory_space<smem>>) attributes {dimension_semantics = [#tpu.dimension_semantics<arbitrary>], iteration_bounds = array<i64: 8>, scalar_prefetch = 0 : i64, scratch_operands = 4 : i64, tpu.core_type = #tpu.core_type<tc>, window_params = [{transform_indices = @transform_0, window_bounds = array<i64: 640, 128>}, {transform_indices = @transform_1, window_bounds = array<i64: 320, 128>}, {pipeline_mode = #tpu.pipeline_mode<synchronous>, transform_indices = @transform_2, window_bounds = array<i64: 8, 128>}]} {
    %eq3A = arith.constant 0 : i32
    %eq3A_0 = arith.cmpi eq, %arg0, %eq3A : i32
    %convert_element_type3A = arith.extui %eq3A_0 : i1 to i32
    %cond3A = arith.constant 0 : i32
    %cond3A_1 = arith.cmpi ne, %convert_element_type3A, %cond3A : i32
    scf.if %cond3A_1 {
      %swap3A_61 = arith.constant 0 : i32
      %swap3A_62 = arith.constant 0 : index
      %swap3A_63 = memref.load %arg5[%swap3A_62] : memref<1xi32, #tpu.memory_space<smem>>
      memref.store %swap3A_61, %arg5[%swap3A_62] : memref<1xi32, #tpu.memory_space<smem>>
      %swap3A_64 = arith.constant 0.000000e+00 : f32
      %swap3A_65 = arith.constant 0 : index
      %swap3A_66 = memref.load %arg6[%swap3A_65] : memref<1xf32, #tpu.memory_space<smem>>
      memref.store %swap3A_64, %arg6[%swap3A_65] : memref<1xf32, #tpu.memory_space<smem>>
      %swap3A_67 = arith.constant 0.000000e+00 : f32
      %swap3A_68 = arith.constant 0 : index
      %swap3A_69 = memref.load %arg7[%swap3A_68] : memref<1xf32, #tpu.memory_space<smem>>
      memref.store %swap3A_67, %arg7[%swap3A_68] : memref<1xf32, #tpu.memory_space<smem>>
    } else {
    }
    %get3A = arith.constant 0 : index
    %get3A_2 = arith.constant 0 : index
    %get3A_3 = tpu.strided_load %arg1[%get3A, %get3A_2] {strides = array<i32: 2, 1>} : memref<640x128xf32, #tpu.memory_space<vmem>>, vector<320x128xf32>
    %get3A_4 = arith.constant 1 : index
    %get3A_5 = arith.constant 0 : index
    %get3A_6 = tpu.strided_load %arg1[%get3A_4, %get3A_5] {strides = array<i32: 2, 1>} : memref<640x128xf32, #tpu.memory_space<vmem>>, vector<320x128xf32>
    %sub3A = arith.subf %get3A_6, %get3A_3 : vector<320x128xf32>
    %max3A = arith.constant 0.000000e+00 : f32
    %max3A_7 = vector.broadcast %max3A : f32 to vector<320x128xf32>
    %max3A_8 = arith.maximumf %sub3A, %max3A_7 : vector<320x128xf32>
    %abs3A = math.absf %sub3A : vector<320x128xf32>
    %neg3A = arith.constant 0.000000e+00 : f32
    %neg3A_9 = vector.broadcast %neg3A : f32 to vector<320x128xf32>
    %neg3A_10 = arith.subf %neg3A_9, %abs3A : vector<320x128xf32>
    %exp3A = math.exp %neg3A_10 : vector<320x128xf32>
    %log1p3A = math.log1p %exp3A : vector<320x128xf32>
    %add3A = arith.addf %max3A_8, %log1p3A : vector<320x128xf32>
    %get3A_11 = arith.constant 0 : index
    %get3A_12 = arith.constant 0 : index
    %get3A_13 = vector.load %arg2[%get3A_11, %get3A_12] : memref<320x128xi32, #tpu.memory_space<vmem>>, vector<320x128xi32>
    %gt3A = arith.constant 0 : i32
    %gt3A_14 = vector.broadcast %gt3A : i32 to vector<320x128xi32>
    %gt3A_15 = arith.cmpi sgt, %get3A_13, %gt3A_14 : vector<320x128xi32>
    %jit3A = arith.constant -1.000000e+00 : f32
    %broadcast_in_dim3A = vector.broadcast %jit3A : f32 to vector<320x128xf32>
    %select_n3A = arith.select %gt3A_15, %broadcast_in_dim3A, %add3A : vector<320x128xi1>, vector<320x128xf32>
    %mul3A = arith.constant 320 : i32
    %mul3A_16 = arith.muli %arg0, %mul3A : i32
    %swap3A = arith.index_cast %mul3A_16 : i32 to index
    %swap3A_17 = arith.constant 0 : index
    %swap3A_18 = vector.load %arg4[%swap3A, %swap3A_17] : memref<2560x128xf32, #tpu.memory_space<vmem>>, vector<320x128xf32>
    tpu.vector_store %arg4[%swap3A, %swap3A_17], %select_n3A {strides = array<i32>} : memref<2560x128xf32, #tpu.memory_space<vmem>>, vector<320x128xf32>,
    %get3A_19 = arith.constant 0 : index
    %get3A_20 = memref.load %arg5[%get3A_19] : memref<1xi32, #tpu.memory_space<smem>>
    %convert_element_type3A_21 = arith.extui %gt3A_15 : vector<320x128xi1> to vector<320x128xi32>
    %reduce_sum3A = vector.shape_cast %convert_element_type3A_21 : vector<320x128xi32> to vector<1x320x128xi32>
    %reduce_sum3A_22 = arith.constant dense<0> : vector<1xi32>
    %reduce_sum3A_23 = vector.multi_reduction <add>, %reduce_sum3A, %reduce_sum3A_22 [1, 2] : vector<1x320x128xi32> to vector<1xi32>
    %reduce_sum3A_24 = vector.shape_cast %reduce_sum3A_23 : vector<1xi32> to vector<1x1x1xi32>
    %reduce_sum3A_25 = vector.extract %reduce_sum3A_24[0, 0, 0] : i32 from vector<1x1x1xi32>
    %add3A_26 = arith.addi %get3A_20, %reduce_sum3A_25 : i32
    %swap3A_27 = arith.constant 0 : index
    %swap3A_28 = memref.load %arg5[%swap3A_27] : memref<1xi32, #tpu.memory_space<smem>>
    memref.store %add3A_26, %arg5[%swap3A_27] : memref<1xi32, #tpu.memory_space<smem>>
    %get3A_29 = arith.constant 0 : index
    %get3A_30 = memref.load %arg6[%get3A_29] : memref<1xf32, #tpu.memory_space<smem>>
    %sub3A_31 = arith.subf %add3A, %sub3A : vector<320x128xf32>
    %jit3A_32 = arith.constant 0.000000e+00 : f32
    %broadcast_in_dim3A_33 = vector.broadcast %jit3A_32 : f32 to vector<320x128xf32>
    %select_n3A_34 = arith.select %gt3A_15, %sub3A_31, %broadcast_in_dim3A_33 : vector<320x128xi1>, vector<320x128xf32>
    %reduce_sum3A_35 = vector.shape_cast %select_n3A_34 : vector<320x128xf32> to vector<1x320x128xf32>
    %reduce_sum3A_36 = arith.constant dense<0.000000e+00> : vector<1xf32>
    %reduce_sum3A_37 = vector.multi_reduction <add>, %reduce_sum3A_35, %reduce_sum3A_36 [1, 2] : vector<1x320x128xf32> to vector<1xf32>
    %reduce_sum3A_38 = vector.shape_cast %reduce_sum3A_37 : vector<1xf32> to vector<1x1x1xf32>
    %reduce_sum3A_39 = vector.extract %reduce_sum3A_38[0, 0, 0] : f32 from vector<1x1x1xf32>
    %add3A_40 = arith.addf %get3A_30, %reduce_sum3A_39 : f32
    %swap3A_41 = arith.constant 0 : index
    %swap3A_42 = memref.load %arg6[%swap3A_41] : memref<1xf32, #tpu.memory_space<smem>>
    memref.store %add3A_40, %arg6[%swap3A_41] : memref<1xf32, #tpu.memory_space<smem>>
    %get3A_43 = arith.constant 0 : index
    %get3A_44 = memref.load %arg7[%get3A_43] : memref<1xf32, #tpu.memory_space<smem>>
    %jit3A_45 = arith.constant 0.000000e+00 : f32
    %broadcast_in_dim3A_46 = vector.broadcast %jit3A_45 : f32 to vector<320x128xf32>
    %select_n3A_47 = arith.select %gt3A_15, %broadcast_in_dim3A_46, %add3A : vector<320x128xi1>, vector<320x128xf32>
    %reduce_sum3A_48 = vector.shape_cast %select_n3A_47 : vector<320x128xf32> to vector<1x320x128xf32>
    %reduce_sum3A_49 = arith.constant dense<0.000000e+00> : vector<1xf32>
    %reduce_sum3A_50 = vector.multi_reduction <add>, %reduce_sum3A_48, %reduce_sum3A_49 [1, 2] : vector<1x320x128xf32> to vector<1xf32>
    %reduce_sum3A_51 = vector.shape_cast %reduce_sum3A_50 : vector<1xf32> to vector<1x1x1xf32>
    %reduce_sum3A_52 = vector.extract %reduce_sum3A_51[0, 0, 0] : f32 from vector<1x1x1xf32>
    %add3A_53 = arith.addf %get3A_44, %reduce_sum3A_52 : f32
    %swap3A_54 = arith.constant 0 : index
    %swap3A_55 = memref.load %arg7[%swap3A_54] : memref<1xf32, #tpu.memory_space<smem>>
    memref.store %add3A_53, %arg7[%swap3A_54] : memref<1xf32, #tpu.memory_space<smem>>
    %eq3A_56 = arith.constant 7 : i32
    %eq3A_57 = arith.cmpi eq, %arg0, %eq3A_56 : i32
    %convert_element_type3A_58 = arith.extui %eq3A_57 : i1 to i32
    %cond3A_59 = arith.constant 0 : i32
    %cond3A_60 = arith.cmpi ne, %convert_element_type3A_58, %cond3A_59 : i32
    scf.if %cond3A_60 {
      %get3A_61 = arith.constant 0 : index
      %get3A_62 = memref.load %arg5[%get3A_61] : memref<1xi32, #tpu.memory_space<smem>>
      %sub3A_63 = arith.constant 327680 : i32
      %sub3A_64 = arith.subi %sub3A_63, %get3A_62 : i32
      %mul3A_65 = arith.constant 3 : i32
      %mul3A_66 = arith.muli %get3A_62, %mul3A_65 : i32
      %min3A = arith.minsi %mul3A_66, %sub3A_64 : i32
      %ge3A = arith.cmpi sge, %min3A, %sub3A_64 : i32
      %convert_element_type3A_67 = arith.extui %ge3A : i1 to i32
      %cond3A_68 = arith.constant 0 : i32
      %cond3A_69 = arith.cmpi ne, %convert_element_type3A_67, %cond3A_68 : i32
      scf.if %cond3A_69 {
        %get3A_73 = arith.constant 0 : index
        %get3A_74 = memref.load %arg7[%get3A_73] : memref<1xf32, #tpu.memory_space<smem>>
        %add3A_75 = arith.addi %get3A_62, %min3A : i32
        %convert_element_type3A_76 = arith.sitofp %add3A_75 : i32 to f32
        %get3A_77 = arith.constant 0 : index
        %get3A_78 = memref.load %arg6[%get3A_77] : memref<1xf32, #tpu.memory_space<smem>>
        %add3A_79 = arith.addf %get3A_78, %get3A_74 : f32
        %max3A_80 = arith.constant 1.000000e+00 : f32
        %max3A_81 = arith.maximumf %convert_element_type3A_76, %max3A_80 : f32
        %div3A = arith.divf %add3A_79, %max3A_81 : f32
        %jit3A_82 = arith.constant 0.000000e+00 : f32
        %jit3A_83 = arith.constant 5.000000e+00 : f32
        %max3A_84 = arith.maximumf %jit3A_82, %div3A : f32
        %min3A_85 = arith.minimumf %jit3A_83, %max3A_84 : f32
        %iota3A = tpu.iota {dimensions = array<i32: 0>} : vector<8x128xi32>
        %iota3A_86 = tpu.iota {dimensions = array<i32: 1>} : vector<8x128xi32>
        %eq3A_87 = arith.constant 0 : i32
        %eq3A_88 = vector.broadcast %eq3A_87 : i32 to vector<8x128xi32>
        %eq3A_89 = arith.cmpi eq, %iota3A, %eq3A_88 : vector<8x128xi32>
        %eq3A_90 = arith.constant 0 : i32
        %eq3A_91 = vector.broadcast %eq3A_90 : i32 to vector<8x128xi32>
        %eq3A_92 = arith.cmpi eq, %iota3A_86, %eq3A_91 : vector<8x128xi32>
        %and3A = arith.andi %eq3A_89, %eq3A_92 : vector<8x128xi1>
        %jit3A_93 = arith.constant 0.000000e+00 : f32
        %broadcast_in_dim3A_94 = vector.broadcast %min3A_85 : f32 to vector<8x128xf32>
        %broadcast_in_dim3A_95 = vector.broadcast %jit3A_93 : f32 to vector<8x128xf32>
        %select_n3A_96 = arith.select %and3A, %broadcast_in_dim3A_94, %broadcast_in_dim3A_95 : vector<8x128xi1>, vector<8x128xf32>
        %eq3A_97 = arith.constant 0 : i32
        %eq3A_98 = vector.broadcast %eq3A_97 : i32 to vector<8x128xi32>
        %eq3A_99 = arith.cmpi eq, %iota3A, %eq3A_98 : vector<8x128xi32>
        %eq3A_100 = arith.constant 1 : i32
        %eq3A_101 = vector.broadcast %eq3A_100 : i32 to vector<8x128xi32>
        %eq3A_102 = arith.cmpi eq, %iota3A_86, %eq3A_101 : vector<8x128xi32>
        %and3A_103 = arith.andi %eq3A_99, %eq3A_102 : vector<8x128xi1>
        %convert_element_type3A_104 = arith.sitofp %get3A_62 : i32 to f32
        %jit3A_105 = arith.constant 0.000000e+00 : f32
        %broadcast_in_dim3A_106 = vector.broadcast %convert_element_type3A_104 : f32 to vector<8x128xf32>
        %broadcast_in_dim3A_107 = vector.broadcast %jit3A_105 : f32 to vector<8x128xf32>
        %select_n3A_108 = arith.select %and3A_103, %broadcast_in_dim3A_106, %broadcast_in_dim3A_107 : vector<8x128xi1>, vector<8x128xf32>
        %add3A_109 = arith.addf %select_n3A_96, %select_n3A_108 : vector<8x128xf32>
        %swap3A_110 = arith.constant 0 : index
        %swap3A_111 = arith.constant 0 : index
        %swap3A_112 = vector.load %arg3[%swap3A_110, %swap3A_111] : memref<8x128xf32, #tpu.memory_space<vmem>>, vector<8x128xf32>
        tpu.vector_store %arg3[%swap3A_110, %swap3A_111], %add3A_109 {strides = array<i32>} : memref<8x128xf32, #tpu.memory_space<vmem>>, vector<8x128xf32>,
      } else {
      }
      %lt3A = arith.cmpi slt, %min3A, %sub3A_64 : i32
      %convert_element_type3A_70 = arith.extui %lt3A : i1 to i32
      %cond3A_71 = arith.constant 0 : i32
      %cond3A_72 = arith.cmpi ne, %convert_element_type3A_70, %cond3A_71 : i32
      scf.if %cond3A_72 {
        %get3A_73 = arith.constant 0 : index
        %get3A_74 = arith.constant 0 : index
        %get3A_75 = vector.load %arg4[%get3A_73, %get3A_74] : memref<2560x128xf32, #tpu.memory_space<vmem>>, vector<2560x128xf32>
        %bitcast_convert_type3A = tpu.bitcast %get3A_75 : vector<2560x128xf32> -> vector<2560x128xi32>
        %ge3A_76 = arith.constant 1073741824 : i32
        %ge3A_77 = vector.broadcast %ge3A_76 : i32 to vector<2560x128xi32>
        %ge3A_78 = arith.cmpi sge, %bitcast_convert_type3A, %ge3A_77 : vector<2560x128xi32>
        %convert_element_type3A_79 = arith.extui %ge3A_78 : vector<2560x128xi1> to vector<2560x128xi32>
        %reduce_sum3A_80 = vector.shape_cast %convert_element_type3A_79 : vector<2560x128xi32> to vector<1x2560x128xi32>
        %reduce_sum3A_81 = arith.constant dense<0> : vector<1xi32>
        %reduce_sum3A_82 = vector.multi_reduction <add>, %reduce_sum3A_80, %reduce_sum3A_81 [1, 2] : vector<1x2560x128xi32> to vector<1xi32>
        %reduce_sum3A_83 = vector.shape_cast %reduce_sum3A_82 : vector<1xi32> to vector<1x1x1xi32>
        %reduce_sum3A_84 = vector.extract %reduce_sum3A_83[0, 0, 0] : i32 from vector<1x1x1xi32>
        %ge3A_85 = arith.cmpi sge, %reduce_sum3A_84, %min3A : i32
        %jit3A_86 = arith.constant 1073741824 : i32
        %jit3A_87 = arith.constant 0 : i32
        %select_n3A_88 = arith.select %ge3A_85, %jit3A_86, %jit3A_87 : i32
        %scan3A = arith.constant 0 : i32
        %scan3A_89 = arith.constant 15 : i32
        %scan3A_90 = arith.addi %scan3A, %scan3A_89 : i32
        %scan3A_91 = arith.constant 1 : i32
        %scan3A_92 = scf.for %scan3A_164 = %scan3A to %scan3A_90 step %scan3A_91 iter_args(%scan3A_165 = %select_n3A_88) -> (i32)  : i32 {
          %mul3A_166 = arith.constant 2 : i32
          %mul3A_167 = arith.muli %mul3A_166, %scan3A_164 : i32
          %sub3A_168 = arith.constant 28 : i32
          %sub3A_169 = arith.subi %sub3A_168, %mul3A_167 : i32
          %shift_left3A = arith.constant 1 : i32
          %shift_left3A_170 = arith.shli %shift_left3A, %sub3A_169 : i32
          %add3A_171 = arith.addi %scan3A_165, %shift_left3A_170 : i32
          %mul3A_172 = arith.constant 2 : i32
          %mul3A_173 = arith.muli %mul3A_172, %shift_left3A_170 : i32
          %add3A_174 = arith.addi %scan3A_165, %mul3A_173 : i32
          %mul3A_175 = arith.constant 3 : i32
          %mul3A_176 = arith.muli %mul3A_175, %shift_left3A_170 : i32
          %add3A_177 = arith.addi %scan3A_165, %mul3A_176 : i32
          %get3A_178 = arith.constant 0 : index
          %get3A_179 = arith.constant 0 : index
          %get3A_180 = vector.load %arg4[%get3A_178, %get3A_179] : memref<2560x128xf32, #tpu.memory_space<vmem>>, vector<2560x128xf32>
          %bitcast_convert_type3A_181 = tpu.bitcast %get3A_180 : vector<2560x128xf32> -> vector<2560x128xi32>
          %ge3A_182 = vector.broadcast %add3A_171 : i32 to vector<2560x128xi32>
          %ge3A_183 = arith.cmpi sge, %bitcast_convert_type3A_181, %ge3A_182 : vector<2560x128xi32>
          %convert_element_type3A_184 = arith.extui %ge3A_183 : vector<2560x128xi1> to vector<2560x128xi32>
          %reduce_sum3A_185 = vector.shape_cast %convert_element_type3A_184 : vector<2560x128xi32> to vector<1x2560x128xi32>
          %reduce_sum3A_186 = arith.constant dense<0> : vector<1xi32>
          %reduce_sum3A_187 = vector.multi_reduction <add>, %reduce_sum3A_185, %reduce_sum3A_186 [1, 2] : vector<1x2560x128xi32> to vector<1xi32>
          %reduce_sum3A_188 = vector.shape_cast %reduce_sum3A_187 : vector<1xi32> to vector<1x1x1xi32>
          %reduce_sum3A_189 = vector.extract %reduce_sum3A_188[0, 0, 0] : i32 from vector<1x1x1xi32>
          %ge3A_190 = vector.broadcast %add3A_174 : i32 to vector<2560x128xi32>
          %ge3A_191 = arith.cmpi sge, %bitcast_convert_type3A_181, %ge3A_190 : vector<2560x128xi32>
          %convert_element_type3A_192 = arith.extui %ge3A_191 : vector<2560x128xi1> to vector<2560x128xi32>
          %reduce_sum3A_193 = vector.shape_cast %convert_element_type3A_192 : vector<2560x128xi32> to vector<1x2560x128xi32>
          %reduce_sum3A_194 = arith.constant dense<0> : vector<1xi32>
          %reduce_sum3A_195 = vector.multi_reduction <add>, %reduce_sum3A_193, %reduce_sum3A_194 [1, 2] : vector<1x2560x128xi32> to vector<1xi32>
          %reduce_sum3A_196 = vector.shape_cast %reduce_sum3A_195 : vector<1xi32> to vector<1x1x1xi32>
          %reduce_sum3A_197 = vector.extract %reduce_sum3A_196[0, 0, 0] : i32 from vector<1x1x1xi32>
          %ge3A_198 = vector.broadcast %add3A_177 : i32 to vector<2560x128xi32>
          %ge3A_199 = arith.cmpi sge, %bitcast_convert_type3A_181, %ge3A_198 : vector<2560x128xi32>
          %convert_element_type3A_200 = arith.extui %ge3A_199 : vector<2560x128xi1> to vector<2560x128xi32>
          %reduce_sum3A_201 = vector.shape_cast %convert_element_type3A_200 : vector<2560x128xi32> to vector<1x2560x128xi32>
          %reduce_sum3A_202 = arith.constant dense<0> : vector<1xi32>
          %reduce_sum3A_203 = vector.multi_reduction <add>, %reduce_sum3A_201, %reduce_sum3A_202 [1, 2] : vector<1x2560x128xi32> to vector<1xi32>
          %reduce_sum3A_204 = vector.shape_cast %reduce_sum3A_203 : vector<1xi32> to vector<1x1x1xi32>
          %reduce_sum3A_205 = vector.extract %reduce_sum3A_204[0, 0, 0] : i32 from vector<1x1x1xi32>
          %ge3A_206 = arith.cmpi sge, %reduce_sum3A_205, %min3A : i32
          %ge3A_207 = arith.cmpi sge, %reduce_sum3A_197, %min3A : i32
          %ge3A_208 = arith.cmpi sge, %reduce_sum3A_189, %min3A : i32
          %select_n3A_209 = arith.select %ge3A_208, %add3A_171, %scan3A_165 : i32
          %select_n3A_210 = arith.select %ge3A_207, %add3A_174, %select_n3A_209 : i32
          %select_n3A_211 = arith.select %ge3A_206, %add3A_177, %select_n3A_210 : i32
          scf.yield %select_n3A_211 : i32
        }
        %scan3A_93 = arith.constant 15 : i32
        %get3A_94 = arith.constant 0 : index
        %get3A_95 = arith.constant 0 : index
        %get3A_96 = vector.load %arg4[%get3A_94, %get3A_95] : memref<2560x128xf32, #tpu.memory_space<vmem>>, vector<2560x128xf32>
        %bitcast_convert_type3A_97 = tpu.bitcast %get3A_96 : vector<2560x128xf32> -> vector<2560x128xi32>
        %gt3A_98 = vector.broadcast %scan3A_92 : i32 to vector<2560x128xi32>
        %gt3A_99 = arith.cmpi sgt, %bitcast_convert_type3A_97, %gt3A_98 : vector<2560x128xi32>
        %convert_element_type3A_100 = arith.extui %gt3A_99 : vector<2560x128xi1> to vector<2560x128xi32>
        %reduce_sum3A_101 = vector.shape_cast %convert_element_type3A_100 : vector<2560x128xi32> to vector<1x2560x128xi32>
        %reduce_sum3A_102 = arith.constant dense<0> : vector<1xi32>
        %reduce_sum3A_103 = vector.multi_reduction <add>, %reduce_sum3A_101, %reduce_sum3A_102 [1, 2] : vector<1x2560x128xi32> to vector<1xi32>
        %reduce_sum3A_104 = vector.shape_cast %reduce_sum3A_103 : vector<1xi32> to vector<1x1x1xi32>
        %reduce_sum3A_105 = vector.extract %reduce_sum3A_104[0, 0, 0] : i32 from vector<1x1x1xi32>
        %get3A_106 = arith.constant 0 : index
        %get3A_107 = arith.constant 0 : index
        %get3A_108 = vector.load %arg4[%get3A_106, %get3A_107] : memref<2560x128xf32, #tpu.memory_space<vmem>>, vector<2560x128xf32>
        %jit3A_109 = arith.constant 0.000000e+00 : f32
        %broadcast_in_dim3A_110 = vector.broadcast %jit3A_109 : f32 to vector<2560x128xf32>
        %select_n3A_111 = arith.select %gt3A_99, %get3A_108, %broadcast_in_dim3A_110 : vector<2560x128xi1>, vector<2560x128xf32>
        %reduce_sum3A_112 = vector.shape_cast %select_n3A_111 : vector<2560x128xf32> to vector<1x2560x128xf32>
        %reduce_sum3A_113 = arith.constant dense<0.000000e+00> : vector<1xf32>
        %reduce_sum3A_114 = vector.multi_reduction <add>, %reduce_sum3A_112, %reduce_sum3A_113 [1, 2] : vector<1x2560x128xf32> to vector<1xf32>
        %reduce_sum3A_115 = vector.shape_cast %reduce_sum3A_114 : vector<1xf32> to vector<1x1x1xf32>
        %reduce_sum3A_116 = vector.extract %reduce_sum3A_115[0, 0, 0] : f32 from vector<1x1x1xf32>
        %bitcast_convert_type3A_117 = arith.bitcast %scan3A_92 : i32 to f32
        %sub3A_118 = arith.subi %min3A, %reduce_sum3A_105 : i32
        %convert_element_type3A_119 = arith.sitofp %sub3A_118 : i32 to f32
        %eq3A_120 = arith.constant 0 : i32
        %eq3A_121 = arith.cmpi eq, %min3A, %eq3A_120 : i32
        %mul3A_122 = arith.mulf %convert_element_type3A_119, %bitcast_convert_type3A_117 : f32
        %add3A_123 = arith.addf %reduce_sum3A_116, %mul3A_122 : f32
        %jit3A_124 = arith.constant 0.000000e+00 : f32
        %select_n3A_125 = arith.select %eq3A_121, %jit3A_124, %add3A_123 : f32
        %add3A_126 = arith.addi %get3A_62, %min3A : i32
        %convert_element_type3A_127 = arith.sitofp %add3A_126 : i32 to f32
        %get3A_128 = arith.constant 0 : index
        %get3A_129 = memref.load %arg6[%get3A_128] : memref<1xf32, #tpu.memory_space<smem>>
        %add3A_130 = arith.addf %get3A_129, %select_n3A_125 : f32
        %max3A_131 = arith.constant 1.000000e+00 : f32
        %max3A_132 = arith.maximumf %convert_element_type3A_127, %max3A_131 : f32
        %div3A = arith.divf %add3A_130, %max3A_132 : f32
        %jit3A_133 = arith.constant 0.000000e+00 : f32
        %jit3A_134 = arith.constant 5.000000e+00 : f32
        %max3A_135 = arith.maximumf %jit3A_133, %div3A : f32
        %min3A_136 = arith.minimumf %jit3A_134, %max3A_135 : f32
        %iota3A = tpu.iota {dimensions = array<i32: 0>} : vector<8x128xi32>
        %iota3A_137 = tpu.iota {dimensions = array<i32: 1>} : vector<8x128xi32>
        %eq3A_138 = arith.constant 0 : i32
        %eq3A_139 = vector.broadcast %eq3A_138 : i32 to vector<8x128xi32>
        %eq3A_140 = arith.cmpi eq, %iota3A, %eq3A_139 : vector<8x128xi32>
        %eq3A_141 = arith.constant 0 : i32
        %eq3A_142 = vector.broadcast %eq3A_141 : i32 to vector<8x128xi32>
        %eq3A_143 = arith.cmpi eq, %iota3A_137, %eq3A_142 : vector<8x128xi32>
        %and3A = arith.andi %eq3A_140, %eq3A_143 : vector<8x128xi1>
        %jit3A_144 = arith.constant 0.000000e+00 : f32
        %broadcast_in_dim3A_145 = vector.broadcast %min3A_136 : f32 to vector<8x128xf32>
        %broadcast_in_dim3A_146 = vector.broadcast %jit3A_144 : f32 to vector<8x128xf32>
        %select_n3A_147 = arith.select %and3A, %broadcast_in_dim3A_145, %broadcast_in_dim3A_146 : vector<8x128xi1>, vector<8x128xf32>
        %eq3A_148 = arith.constant 0 : i32
        %eq3A_149 = vector.broadcast %eq3A_148 : i32 to vector<8x128xi32>
        %eq3A_150 = arith.cmpi eq, %iota3A, %eq3A_149 : vector<8x128xi32>
        %eq3A_151 = arith.constant 1 : i32
        %eq3A_152 = vector.broadcast %eq3A_151 : i32 to vector<8x128xi32>
        %eq3A_153 = arith.cmpi eq, %iota3A_137, %eq3A_152 : vector<8x128xi32>
        %and3A_154 = arith.andi %eq3A_150, %eq3A_153 : vector<8x128xi1>
        %convert_element_type3A_155 = arith.sitofp %get3A_62 : i32 to f32
        %jit3A_156 = arith.constant 0.000000e+00 : f32
        %broadcast_in_dim3A_157 = vector.broadcast %convert_element_type3A_155 : f32 to vector<8x128xf32>
        %broadcast_in_dim3A_158 = vector.broadcast %jit3A_156 : f32 to vector<8x128xf32>
        %select_n3A_159 = arith.select %and3A_154, %broadcast_in_dim3A_157, %broadcast_in_dim3A_158 : vector<8x128xi1>, vector<8x128xf32>
        %add3A_160 = arith.addf %select_n3A_147, %select_n3A_159 : vector<8x128xf32>
        %swap3A_161 = arith.constant 0 : index
        %swap3A_162 = arith.constant 0 : index
        %swap3A_163 = vector.load %arg3[%swap3A_161, %swap3A_162] : memref<8x128xf32, #tpu.memory_space<vmem>>, vector<8x128xf32>
        tpu.vector_store %arg3[%swap3A_161, %swap3A_162], %add3A_160 {strides = array<i32>} : memref<8x128xf32, #tpu.memory_space<vmem>>, vector<8x128xf32>,
      } else {
      }
    } else {
    }
    return
  }
  func.func @transform_0(%arg0: i32) -> (i32, i32) {
    %c0_i32 = arith.constant 0 : i32
    %c0_i32_0 = arith.constant 0 : i32
    return %arg0, %c0_i32 : i32, i32
  }
  func.func @transform_1(%arg0: i32) -> (i32, i32) {
    %c0_i32 = arith.constant 0 : i32
    %c0_i32_0 = arith.constant 0 : i32
    return %arg0, %c0_i32 : i32, i32
  }
  func.func @transform_2(%arg0: i32) -> (i32, i32) {
    %c0_i32 = arith.constant 0 : i32
    %c0_i32_0 = arith.constant 0 : i32
    %c0_i32_1 = arith.constant 0 : i32
    return %c0_i32, %c0_i32_0 : i32, i32
  }
}

</mosaic_0001>

<sc_bundles>
// kernel: kernel.4.cloned.1.call-start
scs
__scs_entry_jumppad:
0x0: {  	(pc) =	sbr.rel $0x88, $3  }
0x1: {  	(tag) =	ssettag $0x0;
	lr =	simm.s32 $0x1  }
0x2: {  	[smem:$0x3F9D] =	sst lr;
	_ =	strace $0xD0000000  }
0x3: {  	_ = 	snop  }
0x4: {  	_ = 	snop  }
0x5: {  	_ = 	snop  }
0x6: {  	_ = 	snop  }
0x7: {  	_ = 	snop  }
__scs_overlays_trampoline_lowered:
0x8: {  	[smem:$0x3FAC] =	sst s0  }
0x9: {  	[smem:$0x3FAD] =	sst s1  }
0xa: {  	[smem:$0x3FAE] =	sst s2  }
0xb: {  	[smem:$0x3FAF] =	sst s3  }
0xc: {  	[smem:$0x3FB0] =	sst s4  }
0xd: {  	[smem:$0x3FB1] =	sst s5  }
0xe: {  	[smem:$0x3FB2] =	sst s6  }
0xf: {  	[smem:$0x3FB3] =	sst s7  }
0x10: {  	[smem:$0x3FB4] =	sst s8  }
0x11: {  	[smem:$0x3FB5] =	sst s9;
	s0 =	simm.s32 @!p0 $0x0  }
0x12: {  	s1 =	sld [smem:$0x3F9B];
	s0 =	simm.s32 @p0 $0x1  }
0x13: {  	[smem:$0x3FB6] =	sst s0;
	s0 =	simm.s32 @!p1 $0x0  }
0x14: {  	s2 =	sld [smem:$0x3F9A];
	s0 =	simm.s32 @p1 $0x1  }
0x15: {  	[smem:$0x3FB7] =	sst s0;
	s0 =	simm.s32 @!p2 $0x0  }
0x16: {  	s3 =	sld [smem:$0x3FDB];
	s0 =	simm.s32 @p2 $0x1  }
0x17: {  	s4 =	simm.s32 $0x1BF5;
	[smem:$0x3FB9] =	sst s0  }
0x18: {  	s0 =	sld [smem:$0x3F9C];
	_ =	swait.ge [sflag:s4], $0x0  }
0x19: {  	s7 =	sld [smem:$0x3F9D]  }
0x1a: {  	s8 =	sadd.s32 $0xFFFFE003, lr  }
0x1b: {  	s9 =	sadd.s32 $0xFFFFFEF7, lr;
	s5 =	simm.s32 $0xFFFFFFFF;
	p2 =	slt.u32 s8, $0xFFFFF086  }
0x1c: {  	p1 =	slt.u32 s9, $0xF7A;
	s5 =	simm.s32 @!p2 $0x0  }
0x1d: {  	s5 =	simm.s32 @p1 $0x1;
	p0 =	seq.s32 s7, s2  }
0x1e: {  	s7 =	smul.u32 @!p0 $0xF7A, s2;
	p2 =	seq.s32 @!p0 s5, $0x0  }
0x1f: {  	s9 =	smul.u32 $0xF7A, s1;
	s8 =	simm.s32 @!p0 $0x1BF5;
	p2 =	por !p2, p0  }
0x20: {  	[sflag:s8] =	ssyncset.s32 @!p0 $0xFFFFF086;
	s6 =	sadd.s32 @!p0 s3, s7;
	s7 =	simm.s32 @!p0 $0x108  }
0x21: {  	s3 =	sadd.s32 s3, s9;
	s6 =	sadd.s32 @!p0 $0x88, s6;
	s7 =	simm.s32 @p2 $0x1082  }
0x22: {  	[simem:s7], [sflag:s8] =	dma.local @!p0 [hbm:s6], $0xF7A  }
0x23: {  	s9 =	sor.u32 $0xD0000000, s2;
	s6 =	simm.s32 $0x108;
	_ =	swait.ge @!p0 [sflag:s8], $0x0  }
0x24: {  	s3 =	sadd.s32 $0x88, s3;
	s6 =	simm.s32 @!p1 $0x1082;
	[sflag:s4] =	ssyncset.s32 $0xFFFFF086  }
0x25: {  	[simem:s6], [sflag:s4] =	dma.local [hbm:s3], $0xF7A  }
0x26: {  	[smem:$0x3F9D] =	sst s1;
	(tag) =	ssettag s2;
	_ =	strace s9  }
0x27: {  	s1 =	sld [smem:$0x3FAD]  }
0x28: {  	s2 =	sld [smem:$0x3FAE]  }
0x29: {  	s4 =	sld [smem:$0x3FB0]  }
0x2a: {  	p0 =	seq.s32 s5, $0x0;
	s5 =	sld [smem:$0x3FB1]  }
0x2b: {  	s6 =	sld [smem:$0x3FB2]  }
0x2c: {  	s7 =	sld [smem:$0x3FB3]  }
0x2d: {  	s3 =	simm.s32 $0x108;
	s8 =	sld [smem:$0x3FB4]  }
0x2e: {  	s3 =	simm.s32 @!p0 $0x1082;
	s9 =	sld [smem:$0x3FB5]  }
0x2f: {  	lr =	sadd.s32 s0, s3;
	s0 =	sld [smem:$0x3FAC]  }
0x30: {  	s3 =	sld [smem:$0x3FAF]  }
0x31: {  	[smem:$0x3FB8] =	sst s10  }
0x32: {  	s10 =	sld [smem:$0x3FB6];
	_ =	sdelay $0x3  }
0x33: {  	p0 =	seq.s32 s10, $0x1;
	s10 =	sld [smem:$0x3FB8];
	_ =	sdelay $0x3  }
0x34: {  	[smem:$0x3FB8] =	sst s10  }
0x35: {  	s10 =	sld [smem:$0x3FB7];
	_ =	sdelay $0x3  }
0x36: {  	p1 =	seq.s32 s10, $0x1;
	s10 =	sld [smem:$0x3FB8];
	_ =	sdelay $0x3  }
0x37: {  	[smem:$0x3FB8] =	sst s10  }
0x38: {  	s10 =	sld [smem:$0x3FB9]  }
0x39: {  	_ = 	snop;
	(pc) =	sbr.ind lr, $3  }
0x3a: {  	_ = 	snop  }
0x3b: {  	_ = 	snop  }
0x3c: {  	p2 =	seq.s32 s10, $0x1;
	s10 =	sld [smem:$0x3FB8]  }
0x3d: {  	_ =	shalt  }
0x3e: {  	_ =	shalt  }
0x3f: {  	_ =	shalt  }
0x40: {  	_ =	shalt  }
0x41: {  	_ =	shalt  }
0x42: {  	_ =	shalt  }
0x43: {  	_ =	shalt  }
0x44: {  	_ =	shalt  }
0x45: {  	_ =	shalt  }
0x46: {  	_ =	shalt  }
0x47: {  	_ =	shalt  }
0x48: {  	_ =	shalt  }
0x49: {  	_ =	shalt  }
0x4a: {  	_ =	shalt  }
0x4b: {  	_ =	shalt  }
0x4c: {  	_ =	shalt  }
0x4d: {  	_ =	shalt  }
0x4e: {  	_ =	shalt  }
0x4f: {  	_ =	shalt  }
0x50: {  	_ =	shalt  }
0x51: {  	_ =	shalt  }
0x52: {  	_ =	shalt  }
0x53: {  	_ =	shalt  }
0x54: {  	_ =	shalt  }
0x55: {  	_ =	shalt  }
0x56: {  	_ =	shalt  }
0x57: {  	_ =	shalt  }
0x58: {  	_ =	shalt  }
0x59: {  	_ =	shalt  }
0x5a: {  	_ =	shalt  }
0x5b: {  	_ =	shalt  }
0x5c: {  	_ =	shalt  }
0x5d: {  	_ =	shalt  }
0x5e: {  	_ =	shalt  }
0x5f: {  	_ =	shalt  }
0x60: {  	_ =	shalt  }
0x61: {  	_ =	shalt  }
0x62: {  	_ =	shalt  }
0x63: {  	_ =	shalt  }
0x64: {  	_ =	shalt  }
0x65: {  	_ =	shalt  }
0x66: {  	_ =	shalt  }
0x67: {  	_ =	shalt  }
0x68: {  	_ =	shalt  }
0x69: {  	_ =	shalt  }
0x6a: {  	_ =	shalt  }
0x6b: {  	_ =	shalt  }
0x6c: {  	_ =	shalt  }
0x6d: {  	_ =	shalt  }
0x6e: {  	_ =	shalt  }
0x6f: {  	_ =	shalt  }
0x70: {  	_ =	shalt  }
0x71: {  	_ =	shalt  }
0x72: {  	_ =	shalt  }
0x73: {  	_ =	shalt  }
0x74: {  	_ =	shalt  }
0x75: {  	_ =	shalt  }
0x76: {  	_ =	shalt  }
0x77: {  	_ =	shalt  }
0x78: {  	_ =	shalt  }
0x79: {  	_ =	shalt  }
0x7a: {  	_ =	shalt  }
0x7b: {  	_ =	shalt  }
0x7c: {  	_ =	shalt  }
0x7d: {  	_ =	shalt  }
0x7e: {  	_ =	shalt  }
0x7f: {  	_ =	shalt  }
0x80: {  	_ =	shalt  }
0x81: {  	_ =	shalt  }
0x82: {  	_ =	shalt  }
0x83: {  	_ =	shalt  }
0x84: {  	_ =	shalt  }
0x85: {  	_ =	shalt  }
0x86: {  	_ =	shalt  }
0x87: {  	_ =	shalt  }
.Lfunc_end0:
.L_simem_size_0:
called_computation_lowered:
.L_overlay_start_0:
0x88: {  	s2 =	sld [smem:$0x3FD9]  }
0x89: {  	s3 =	sld [smem:$0x3FFE];
	_ =	sdelay $0x1  }
0x8a: {  	s1 =	srdreg.scid  }
0x8b: {  	s0 =	sand.u32 $0x1, s1  }
0x8c: {  	s17 =	sshll.u32 s0, $0xA;
	s2 =	sadd.s32 s3, s2  }
0x8d: {  	s2 =	sadd.s32 s2, s17  }
0x8e: {  	[smem:$0x3FC4] =	sst s2  }
0x8f: {  	_ = 	snop  }
0x90: {  	s2 =	sld [smem:$0x3FC8]  }
0x91: {  	s18 =	sld [smem:$0x3FC6];
	(tm) =	ssettm $0x1  }
0x92: {  	s4 =	sld [smem:$0x3FFB];
	_ =	sdelay $0x3  }
0x93: {  	_ =	strace s4  }
0x94: {  	s4 =	sld [smem:$0x3FFC];
	_ =	sdelay $0x3  }
0x95: {  	_ =	strace s4  }
0x96: {  	s4 =	sld [smem:$0x3FFD];
	_ =	sdelay $0x3  }
0x97: {  	_ =	strace s4  }
0x98: {  	_ =	strace $0x8FFFFFFF  }
0x99: {  	s19 =	sld [smem:$0x3FDB];
	_ =	sdelay $0x1  }
0x9a: {  	s5 =	simm.s32 $_scs_section_size  }
0x9b: {  	s6 =	simm.s32 $_size__tile_overlayer_lowered;
	s7 =	simm.s32 $_tile_overlayer_lowered  }
0x9c: {  	s22 =	simm.s32 $0x1BFF;
	s21 =	sshll.u32 s7, $0x1;
	s4 =	sadd.s32 s5, s19  }
0x9d: {  	s8 =	simm.s32 $0x0;
	s20 =	sshll.u32 s6, $0x1;
	s6 =	sadd.s32 s21, s4  }
0x9e: {  	[timem:s8], [sflag:s22] =	dma.local [hbm:s6], s20  }
0x9f: {  	_ =	swait.ge [sflag:s22], s20  }
0xa0: {  	s5 =	ssub.s32 $0x0, s20;
	[sflag:s22] =	ssyncset.done $0x0  }
0xa1: {  	[sflag:s22] =	ssyncadd.s32 s5;
	_ =	sdelay $0x1  }
0xa2: {  	s23 =	simm.s32 $0x1B8B  }
0xa3: {  	_ =	swait.ge [sflag:s23], $0x1  }
0xa4: {  	[sflag:s23] =	ssyncset.done $0x0  }
0xa5: {  	s25 =	simm.s32 $0x1B8E;
	s24 =	sld [smem:$0x3FFE];
	[sflag:s23] =	ssyncadd.s32 $0xFFFFFFFF  }
0xa6: {  	s26 =	simm.s32 $execute0_lowered;
	[smem:$0x3FD2] =	sst s25  }
0xa7: {  	s6 =	sshll.u32 s26, $0x1;
	_ =	strace $0x80000046;
	[dreg:$0x1] =	wrdreg $0xFFFFFFFF  }
0xa8: {  	s28 =	simm.s32 $_size_execute0_lowered;
	s4 =	sadd.s32 s4, s6;
	[dreg:$0x0] =	wrdreg $0x0  }
0xa9: {  	s6 =	sshll.u32 s28, $0x1;
	[dreg:$0x2] =	wrdreg s4  }
0xaa: {  	[dreg:$0x3] =	wrdreg s6  }
0xab: {  	[dreg:$0x4] =	wrdreg $0xC0  }
0xac: {  	_ =	task [dreg:s8], $0x5FFFF  }
0xad: {  	[dreg:$0x1] =	wrdreg $0xFFFFFFFF  }
0xae: {  	[dreg:$0x0] =	wrdreg $0x60  }
0xaf: {  	[dreg:$0x2] =	wrdreg s2  }
0xb0: {  	[dreg:$0x3] =	wrdreg s18  }
0xb1: {  	[dreg:$0x4] =	wrdreg s24  }
0xb2: {  	[dreg:$0x5] =	wrdreg $0x9  }
0xb3: {  	_ =	task.clear_ibuf [dreg:s8], $0x6FFFF;
	_ =	strace $0x90000046  }
0xb4: {  	s29 =	simm.s32 $0x9;
	_ =	strace $0x80000048  }
0xb5: {  	_ =	swait.ge [sflag:s29], $0x1  }
0xb6: {  	[sflag:s29] =	ssyncadd.s32 $0xFFFFFFFF  }
0xb7: {  	_ =	strace $0x90000048  }
0xb8: {  	_ =	sfence  }
0xb9: {  	s30 =	sld [smem:$0x0];
	_ =	sdelay $0x2  }
0xba: {  	s31 =	sshll.u32 s1, $0xD;
	s1 =	sshrl.u32 s1, $0x2  }
0xbb: {  	s3 =	sand.u32 $0x4000, s31;
	s1 =	sadd.s32 s1, s30  }
0xbc: {  	s0 =	sor.u32 s3, s0;
	s1 =	sshll.u32 s1, $0x11  }
0xbd: {  	s0 =	sor.u32 s1, s0  }
0xbe: {  	s0 =	sadd.s32 $0x8F2B, s0  }
0xbf: {  	[sflag:s0] =	ssyncadd.remote.s32 $0x1  }
0xc0: {  	_ =	sfence.sel $0xFFFF  }
0xc1: {  	[dreg:$0x0] =	wrdreg $0xFFFFFFFF;
	(pc) =	sbr.abs _section_cstart, $3  }
0xc2: {  	[dreg:$0x1] =	wrdreg $0xFFFFFFFF  }
0xc3: {  	_ =	task.clear_ibuf [dreg:s8], $0x2FFFF;
	_ =	strace $0x9FFFFFFF  }
0xc4: {  	(tm) =	ssettm $0x7FFFFFFF  }
0xc5: {  	_ =	shalt  }
tec
execute0_lowered:
.L_overlay_start_1:
0x0: {  	(tag) =	ssettag $0x1  }
0x1: {  	s3 =	rddreg [dreg:$0x0]  }
0x2: {  	s4 =	rddreg [dreg:$0x1];
	s1 =	srdreg.scid  }
0x3: {  	s0 =	stileid.u32;
	s5 =	rddreg [dreg:$0x2];
	s2 =	simm.s32 $0x0  }
0x4: {  	s11 =	simm.s32 $0x16800;
	s6 =	sand.u32 $0x1, s1;
	s7 =	sshll.u32 s0, $0x1  }
0x5: {  	s12 =	simm.s32 $0x0;
	s1 =	rddreg [dreg:$0x3];
	s7 =	sor.u32 s6, s7  }
0x6: {  	[smem:$0x7FF] =	sst s2;
	s6 =	ssub.s32 $0x2, s6;
	s8 =	smul.u32 $0x500, s7  }
0x7: {  	s9 =	smul.u32 $0x1400, s7;
	s7 =	sshll.u32 s7, $0x4;
	s10 =	sshrl.u32 s6, $0x1  }
0x8: {  	_ =	strace $0x80000047;
	s7 =	sadd.s32 s7, s5;
	s10 =	ssub.s32 s6, s10  }
0x9: {  	s8 =	sadd.s32 s8, s5;
	s3 =	sadd.s32 s3, s9;
	s4 =	sadd.s32 s4, s9  }
0xa: {  	s6 =	sadd.s32 $0xA600, s7;
	s7 =	smax.u32 s10, $0x1;
	s9 =	simm.s32 $0xA000  }
0xb: {  	s10 =	simm.s32 $0x14000;
	s5 =	sadd.s32 $0x600, s8;
	s8 =	simm.s32 $0x1  }
.LBB2_1:
0xc: {  	[tilespmem:s2], [sflag:$0x1] =	stream.linear.gather [hbm4b:s3+s2], $0xA000, $0x38;
	[tilespmem:$0x16880] =	vst v63  }
0xd: {  	_ =	swait.ge [sflag:s8], $0xA000  }
0xe: {  	[sflag:s8] =	ssyncset.done $0x0  }
0xf: {  	[sflag:s8] =	ssyncadd.s32 $0xFFFF6000  }
0x10: {  	[tilespmem:s9], [sflag:$0x1] =	stream.linear.gather [hbm4b:s4+s2], $0xA000, $0x38;
	[tilespmem:$0x16880] =	vst v63  }
0x11: {  	s13 =	simm.s32 $0x0;
	_ =	swait.ge [sflag:s8], $0xA000  }
0x12: {  	s13 =	sand.u32 $0xFFFFFF80, s13;
	[sflag:s8] =	ssyncset.done $0x0  }
0x13: {  	s14 =	sadd.s32 $0x0, s13;
	[sflag:s8] =	ssyncadd.s32 $0xFFFF6000  }
0x14: {  	[tilespmem:s10], [sflag:$0x1] =	stream.linear.gather [hbm4b:s5+s2], $0x2800, $0x38;
	[tilespmem:$0x16880] =	vst v63  }
0x15: {  	s14 =	sadd.s32 $0x80, s14;
	_ =	swait.ge [sflag:s8], $0x2800  }
0x16: {  	s17 =	sand.u32 $0x70, s2;
	s14 =	sand.u32 $0xFFFFFF80, s14;
	[sflag:s8] =	ssyncset.done $0x0  }
0x17: {  	s14 =	sor.u32 s17, s14;
	[sflag:s8] =	ssyncadd.s32 $0xFFFFD800  }
0x18: {  	v0 =	vld [tilespmem:s14+$0x0]  }
0x19: {  	s15 =	simm.s32 $0x10;
	v1 =	vld [tilespmem:s14+$0xA000]  }
0x1a: {  	s18 =	sand.u32 $0xFFFFFF80, s2;
	s20 =	sand.u32 $0xFFFFFF80, s15  }
0x1b: {  	s29 =	simm.s32 $0x20;
	s15 =	sadd.s32 $0x10, s20;
	s13 =	ssub.s32 s18, s13  }
0x1c: {  	s18 =	simm.s32 $0x8;
	s16 =	sadd.s32 $0x80, s15;
	s14 =	simm.s32 $0x10  }
0x1d: {  	s19 =	sadd.s32 $0x0, s13;
	s16 =	sand.u32 $0xFFFFFF80, s16;
	s15 =	sand.u32 $0x70, s14  }
0x1e: {  	s13 =	simm.s32 $0x20;
	s21 =	sor.u32 s15, s16;
	s16 =	sand.u32 $0xFFFFFF80, s29;
	v0 =	vsub.f32 v0, v1  }
0x1f: {  	s31 =	sand.u32 $0xFFFFFF80, s18;
	s22 =	sand.u32 $0xFFFFFF80, s19;
	v2 =	vld [tilespmem:s21+$0x0];
	s23 =	sadd.s32 $0x20, s16  }
0x20: {  	s19 =	simm.s32 $0x3;
	s17 =	sor.u32 s17, s22;
	v4 =	vld [tilespmem:s21+$0xA000];
	s30 =	sadd.s32 $0x80, s23;
	v3 =	vand.u32 $0x7FFFFFFF, v0  }
0x21: {  	s20 =	ssub.s32 s31, s20;
	v1 =	vld [tilespmem:s17+$0x14000];
	s17 =	sand.u32 $0x70, s13;
	s21 =	sand.u32 $0xFFFFFF80, s30;
	v0 =	vimm.f32 $0.0e+00;
	v5 =	vmul.f32 $4.500000000e+00, v3  }
.LBB2_2:
0x22: {  	s22 =	sshll.u32 s19, $0x4  }
0x23: {  	s21 =	sor.u32 s17, s21;
	s20 =	sadd.s32 s20, s14;
	s23 =	smov.u32 s16  }
0x24: {  	v5 =	vmul.f32 v5, v3;
	v6 =	vadd.f32 $-5.555555600e-02, v3;
	s14 =	smov.u32 s13;
	s13 =	sadd.s32 $0x10, s13;
	p0 =	sne.s32 s19, $0x4FF  }
.Ltmp0:
0x25: {  	vm0 =	vlt.f32 v3, $1.111111120e-01;
	s16 =	sand.u32 $0xFFFFFF80, s22;
	v7 =	vsub.f32 v2, v4;
	v2 =	vld [tilespmem:s21+$0x0];
	s20 =	sand.u32 $0xFFFFFF80, s20;
	(pc) =	sbr.rel @p0 .LBB2_2-.Ltmp0, $4  }
0x26: {  	s19 =	sadd.s32 $0x1, s19;
	v4 =	vld [tilespmem:s21+$0xA000];
	s15 =	sor.u32 s15, s20;
	v5 =	vsel vm0, v5, v6;
	vm0 =	vgt.s32 v1, $0x0  }
0x27: {  	s18 =	sadd.s32 $0x8, s18;
	s20 =	sadd.s32 s13, s16;
	v3 =	vand.u32 $0x7FFFFFFF, v7;
	v1 =	vld [tilespmem:s15+$0x14000];
	v6 =	vnsel vm0, $0x0, v5;
	s15 =	smov.u32 s17  }
0x28: {  	s22 =	sand.u32 $0xFFFFFF80, s18;
	s20 =	sadd.s32 $0x80, s20;
	v5 =	vmul.f32 $4.500000000e+00, v3;
	v0 =	vadd.f32 v6, v0  }
0x29: {  	s17 =	sand.u32 $0x70, s13;
	s21 =	sand.u32 $0xFFFFFF80, s20;
	s20 =	ssub.s32 s22, s23  }
0x2a: {  	s19 =	sor.u32 s17, s21  }
0x2b: {  	v6 =	vld [tilespmem:s19+$0x0]  }
0x2c: {  	v7 =	vld [tilespmem:s19+$0xA000]  }
0x2d: {  	s18 =	sadd.s32 $0x8, s18  }
0x2e: {  	s14 =	sadd.s32 s20, s14;
	v2 =	vsub.f32 v2, v4;
	s18 =	sand.u32 $0xFFFFFF80, s18  }
0x2f: {  	s14 =	sand.u32 $0xFFFFFF80, s14;
	s16 =	ssub.s32 s18, s16  }
0x30: {  	v54 =	vmul.f32 v5, v3;
	v55 =	vadd.f32 $-5.555555600e-02, v3;
	s14 =	sor.u32 s15, s14;
	v2 =	vand.u32 $0x7FFFFFFF, v2;
	s13 =	sadd.s32 s16, s13  }
0x31: {  	vm0 =	vlt.f32 v3, $1.111111120e-01;
	v56 =	vld [tilespmem:s14+$0x14000];
	v57 =	vmul.f32 $4.500000000e+00, v2;
	s13 =	sand.u32 $0xFFFFFF80, s13;
	v6 =	vsub.f32 v6, v7  }
0x32: {  	v4 =	vsel vm0, v54, v55;
	vm11 =	vgt.s32 v1, $0x0;
	s13 =	sor.u32 s17, s13  }
0x33: {  	v59 =	vadd.f32 $-5.555555600e-02, v2;
	v58 =	vmul.f32 v57, v2;
	v60 =	vld [tilespmem:s13+$0x14000];
	v6 =	vand.u32 $0x7FFFFFFF, v6  }
0x34: {  	v4 =	vnsel vm11, $0x0, v4;
	vm12 =	vlt.f32 v2, $1.111111120e-01;
	v61 =	vmul.f32 $4.500000000e+00, v6  }
0x35: {  	v0 =	vadd.f32 v4, v0;
	v1 =	vsel vm12, v58, v59  }
0x36: {  	vm13 =	vgt.s32 v56, $0x0;
	v62 =	vadd.f32 $-5.555555600e-02, v6;
	v2 =	vmul.f32 v61, v6  }
0x37: {  	v1 =	vnsel vm13, $0x0, v1;
	vm14 =	vlt.f32 v6, $1.111111120e-01  }
0x38: {  	v0 =	vadd.f32 v1, v0;
	vm15 =	vgt.s32 v60, $0x0;
	v63 =	vsel vm14, v2, v62  }
0x39: {  	v1 =	vnsel vm15, $0x0, v63  }
0x3a: {  	s12 =	sadd.s32 $0x1, s12;
	v0 =	vadd.f32 v1, v0  }
0x3b: {  	p0 =	sne.s32 s12, s7  }
.Ltmp1:
0x3c: {  	[tilespmem:$0x16800] =	vst v0;
	(pc) =	sbr.rel @p0 .LBB2_1-.Ltmp1, $4  }
0x3d: {  	[hbm4b:s6+s2] =	stream.linear.scatter [tilespmem:s11], [sflag:$0x1], $0x80, $0x38;
	[tilespmem:$0x16880] =	vst v63  }
0x3e: {  	_ =	swait.ge [sflag:s8], $0x80  }
0x3f: {  	[sflag:s8] =	ssyncset.done $0x0  }
0x40: {  	[sflag:s8] =	ssyncadd.s32 $0xFFFFFF80  }
0x41: {  	_ =	sfence.sel $0x180000  }
0x42: {  	[bflag:$0x0] =	sbarrier.arrive $0xFFFF  }
0x43: {  	p0 =	sne.s32 s0, $0x0;
	_ =	strace $0x90000047  }
0x44: {  	s0 =	sadd.s32 @!p0 $0x100000, s1;
	[bflag:$0x2] =	sbarrier.arrive $0xFFFF  }
0x45: {  	[sflag:s0] =	ssyncadd.tile.s32 @!p0 $0x1;
	_ =	shalt  }
.Lfunc_end2:
_tile_overlayer_lowered:
.L_overlay_start_2:
0x46: {  	(tag) =	ssettag $0x2  }
0x47: {  	s0 =	rddreg [dreg:$0x0];
	s2 =	stileid.u32  }
0x48: {  	s1 =	rddreg [dreg:$0x1];
	p0 =	sne.s32 s2, $0x0  }
0x49: {  	s3 =	rddreg [dreg:$0x2];
	[bflag:$0x3] =	sbarrier.arrive $0xFFFF;
	s2 =	simm.s32 @!p0 $0x1C01  }
0x4a: {  	[timem:s3], [sflag:s2] =	dma.local @!p0 [hbm:s0], s1  }
0x4b: {  	s0 =	simm.s32 @!p0 $0x1  }
0x4c: {  	_ =	swait.ge @!p0 [sflag:s0], s1  }
0x4d: {  	s1 =	ssub.s32 @!p0 $0x0, s1;
	[sflag:s0] =	ssyncset.done @!p0 $0x0  }
0x4e: {  	[sflag:s0] =	ssyncadd.s32 @!p0 s1  }
0x4f: {  	[bflag:$0x3] =	sbarrier.arrive $0xFFFF  }
0x50: {  	_ =	shalt  }

</sc_bundles>
